<compile_context>
chip_gen: v7x
topology: tpu7x:2x2x1
jax: 0.10.2.dev20260603
libtpu: 0.0.44.dev20260713+nightly
codegen_flags: <defaults>
</compile_context>

<pallas_src>
import jax
import jax.numpy as jnp
from jax import lax
from jax.experimental import pallas as pl

_K = 8192
_D = 32
_TN = 256


def _dist_argmin_body(z_ref, w_ref, zsq_ref, wsq_ref,
                      zq_ref, tok_ref, dmin_ref):
    zb = z_ref[0].reshape(_D, _TN)
    w = w_ref[...]
    mm = lax.dot_general(zb, w, (((0,), (1,)), ((), ())),
                         preferred_element_type=jnp.float32)
    zsqb = zsq_ref[0, 0]
    wsqb = wsq_ref[...]
    d = (zsqb + wsqb) - 2.0 * mm
    minv = jnp.min(d, axis=1, keepdims=True)
    idx = jnp.argmin(d, axis=1).astype(jnp.int32)[:, None]
    tok_ref[0, 0] = idx
    dmin_ref[0, 0] = minv
    iota = lax.broadcasted_iota(jnp.int32, d.shape, 1)
    onehot = (iota == idx).astype(jnp.float32)
    zq = lax.dot_general(onehot, w, (((1,), (0,)), ((), ())),
                         preferred_element_type=jnp.float32,
                         precision=lax.Precision.HIGHEST)
    zq_ref[0] = zq


def kernel(z, W):
    B, C, H, Wd = z.shape
    n_tok = B * H * Wd
    n_blk = n_tok // _TN
    q_per_b = n_blk // B
    h_per_q = H // q_per_b

    zt = jnp.transpose(z, (0, 2, 3, 1))
    zf = zt.reshape(-1, _D)
    zsq = jnp.sum(zf ** 2, axis=1).reshape(B, q_per_b, _TN, 1)
    wsq = jnp.sum(W ** 2, axis=1).reshape(1, _K)

    zq_rows, tok, dmin = pl.pallas_call(
        _dist_argmin_body,
        grid=(B, q_per_b),
        in_specs=[
            pl.BlockSpec((1, C, h_per_q, Wd), lambda b, q: (b, 0, q, 0)),
            pl.BlockSpec((_K, _D), lambda b, q: (0, 0)),
            pl.BlockSpec((1, 1, _TN, 1), lambda b, q: (b, q, 0, 0)),
            pl.BlockSpec((1, _K), lambda b, q: (0, 0)),
        ],
        out_specs=[
            pl.BlockSpec((1, _TN, _D), lambda b, q: (b * 4 + q, 0, 0)),
            pl.BlockSpec((1, 1, _TN, 1), lambda b, q: (b, q, 0, 0)),
            pl.BlockSpec((1, 1, _TN, 1), lambda b, q: (b, q, 0, 0)),
        ],
        out_shape=[
            jax.ShapeDtypeStruct((n_blk, _TN, _D), jnp.float32),
            jax.ShapeDtypeStruct((B, q_per_b, _TN, 1), jnp.int32),
            jax.ShapeDtypeStruct((B, q_per_b, _TN, 1), jnp.float32),
        ],
    )(z, W, zsq, wsq)

    token = tok.reshape(-1)
    z_q = zq_rows.reshape(zt.shape)
    z_q_st = zt + (z_q - zt)
    z_q_out = jnp.transpose(z_q_st, (0, 3, 1, 2))

    quant_error = jnp.mean(dmin)
    loss = 0.25 * (quant_error / _D)

    histogram = jnp.bincount(token, minlength=_K, length=_K).astype(jnp.float32)
    codebook_usage_counts = jnp.sum((histogram > 0).astype(jnp.float32))
    codebook_utilization = codebook_usage_counts / _K
    avg_probs = histogram / jnp.sum(histogram)
    codebook_perplexity = jnp.exp(-jnp.sum(avg_probs * jnp.log(avg_probs + 1e-10)))

    return (z_q_out, loss, quant_error, codebook_utilization, codebook_perplexity)

# --- scband reference (transcript-rebuilt; emitter-appended) ---
"""Pipeline reference for scband-ema-quantizer-17995912970285 (READ-ONLY COPY).

The authoritative reference and input builder live on the scoring server;
editing this copy changes nothing except your own understanding.
"""

import jax, jax.numpy as jnp
import numpy as np

CODEBOOK_SIZE = 8192
CODEBOOK_DIM = 32
BETA = 0.25

def setup_inputs(seed: int = 0) -> dict:
    key = jax.random.key(seed)
    k1, k2 = jax.random.split(key)
    z = jax.random.normal(k1, (16, 32, 32, 32), dtype=jnp.float32)
    W = jax.random.normal(k2, (CODEBOOK_SIZE, CODEBOOK_DIM), dtype=jnp.float32) / CODEBOOK_SIZE
    return {"z": z, "W": W}

def reference(z, W):
    # z: [B, C, H, W] -> [B, H, W, C]
    zt = jnp.transpose(z, (0, 2, 3, 1))
    zf = zt.reshape(-1, CODEBOOK_DIM)
    # squared L2 distances to codebook entries
    d = jnp.sum(zf ** 2, axis=1, keepdims=True) + jnp.sum(W ** 2, axis=1) - 2.0 * (zf @ W.T)
    token = jnp.argmin(d, axis=1)
    z_q = jnp.take(W, token, axis=0).reshape(zt.shape)
    # commitment loss (codebook is EMA-updated, so z_q side is detached)
    loss = BETA * jnp.mean((jax.lax.stop_gradient(z_q) - zt) ** 2)
    # straight-through estimator
    z_q_st = zt + jax.lax.stop_gradient(z_q - zt)
    quant_error = jnp.mean(jnp.sum((jax.lax.stop_gradient(z_q_st) - jax.lax.stop_gradient(zt)) ** 2, axis=3))
    histogram = jnp.bincount(token, minlength=CODEBOOK_SIZE, length=CODEBOOK_SIZE).astype(jnp.float32)
    codebook_usage_counts = jnp.sum((histogram > 0).astype(jnp.float32))
    codebook_utilization = codebook_usage_counts / CODEBOOK_SIZE
    avg_probs = histogram / jnp.sum(histogram)
    codebook_perplexity = jnp.exp(-jnp.sum(avg_probs * jnp.log(avg_probs + 1e-10)))
    z_q_out = jnp.transpose(z_q_st, (0, 3, 1, 2))
    return (z_q_out, loss, quant_error, codebook_utilization, codebook_perplexity)

if __name__ == "__main__":
    import jax
    _d = setup_inputs()
    print(jax.jit(kernel)(*tuple(_d.values())))

</pallas_src>

<mosaic_0001>
module attributes {stable_mosaic.version = 14 : i64} {
  func.func @_dist_argmin_body(%arg0: i32, %arg1: i32, %arg2: memref<1x32x8x32xf32, #tpu.memory_space<vmem>>, %arg3: memref<8192x32xf32, #tpu.memory_space<vmem>>, %arg4: memref<1x1x256x1xf32, #tpu.memory_space<vmem>>, %arg5: memref<1x8192xf32, #tpu.memory_space<vmem>>, %arg6: memref<1x256x32xf32, #tpu.memory_space<vmem>>, %arg7: memref<1x1x256x1xi32, #tpu.memory_space<vmem>>, %arg8: memref<1x1x256x1xf32, #tpu.memory_space<vmem>>) attributes {dimension_semantics = [#tpu.dimension_semantics<arbitrary>, #tpu.dimension_semantics<arbitrary>], iteration_bounds = array<i64: 16, 4>, scalar_prefetch = 0 : i64, scratch_operands = 0 : i64, tpu.core_type = #tpu.core_type<tc>, window_params = [{transform_indices = @transform_0, window_bounds = array<i64: 1, 32, 8, 32>}, {pipeline_mode = #tpu.pipeline_mode<synchronous>, transform_indices = @transform_1, window_bounds = array<i64: 8192, 32>}, {transform_indices = @transform_2, window_bounds = array<i64: 1, 1, 256, 1>}, {pipeline_mode = #tpu.pipeline_mode<synchronous>, transform_indices = @transform_3, window_bounds = array<i64: 1, 8192>}, {transform_indices = @transform_4, window_bounds = array<i64: 1, 256, 32>}, {transform_indices = @transform_5, window_bounds = array<i64: 1, 1, 256, 1>}, {transform_indices = @transform_6, window_bounds = array<i64: 1, 1, 256, 1>}]} {
    %get3A = arith.constant 0 : index
    %get3A_0 = arith.constant 0 : index
    %get3A_1 = arith.constant 0 : index
    %get3A_2 = arith.constant 0 : index
    %get3A_3 = vector.load %arg2[%get3A, %get3A_0, %get3A_1, %get3A_2] : memref<1x32x8x32xf32, #tpu.memory_space<vmem>>, vector<1x32x8x32xf32>
    %get3A_4 = vector.shape_cast %get3A_3 : vector<1x32x8x32xf32> to vector<32x8x32xf32>
    %reshape3A = vector.shape_cast %get3A_4 : vector<32x8x32xf32> to vector<32x256xf32>
    %get3A_5 = arith.constant 0 : index
    %get3A_6 = arith.constant 0 : index
    %get3A_7 = vector.load %arg3[%get3A_5, %get3A_6] : memref<8192x32xf32, #tpu.memory_space<vmem>>, vector<8192x32xf32>
    %dot_general3A = arith.constant dense<0.000000e+00> : vector<256x8192xf32>
    %dot_general3A_8 = tpu.matmul %reshape3A, %get3A_7, %dot_general3A {dimension_numbers = #tpu.dot_dimension_numbers<[0], [1], [1], [0], [0, 1, 1, 0], [], []>, transpose_lhs_hint = false} : vector<32x256xf32>, vector<8192x32xf32>, vector<256x8192xf32> -> vector<256x8192xf32>
    %get3A_9 = arith.constant 0 : index
    %get3A_10 = arith.constant 0 : index
    %get3A_11 = arith.constant 0 : index
    %get3A_12 = arith.constant 0 : index
    %get3A_13 = vector.load %arg4[%get3A_9, %get3A_10, %get3A_11, %get3A_12] : memref<1x1x256x1xf32, #tpu.memory_space<vmem>>, vector<1x1x256x1xf32>
    %get3A_14 = vector.shape_cast %get3A_13 : vector<1x1x256x1xf32> to vector<256x1xf32>
    %get3A_15 = arith.constant 0 : index
    %get3A_16 = arith.constant 0 : index
    %get3A_17 = vector.load %arg5[%get3A_15, %get3A_16] : memref<1x8192xf32, #tpu.memory_space<vmem>>, vector<1x8192xf32>
    %add3A = vector.broadcast %get3A_14 : vector<256x1xf32> to vector<256x8192xf32>
    %add3A_18 = vector.broadcast %get3A_17 : vector<1x8192xf32> to vector<256x8192xf32>
    %add3A_19 = arith.addf %add3A, %add3A_18 : vector<256x8192xf32>
    %mul3A = arith.constant 2.000000e+00 : f32
    %mul3A_20 = vector.broadcast %mul3A : f32 to vector<256x8192xf32>
    %mul3A_21 = arith.mulf %mul3A_20, %dot_general3A_8 : vector<256x8192xf32>
    %sub3A = arith.subf %add3A_19, %mul3A_21 : vector<256x8192xf32>
    %reduce_min3A = arith.constant dense<0x7F800000> : vector<256xf32>
    %reduce_min3A_22 = vector.multi_reduction <minimumf>, %sub3A, %reduce_min3A [1] : vector<256x8192xf32> to vector<256xf32>
    %broadcast_in_dim3A = vector.shape_cast %reduce_min3A_22 : vector<256xf32> to vector<256x1xf32>
    %argmin3A = tpu.reduce_index %sub3A {axis = 1 : i32, kind = #tpu.reduction_kind<arg_min>} : vector<256x8192xf32> -> vector<256xi32>
    %broadcast_in_dim3A_23 = vector.shape_cast %argmin3A : vector<256xi32> to vector<256x1xi32>
    %swap3A = arith.constant 0 : index
    %swap3A_24 = arith.constant 0 : index
    %swap3A_25 = arith.constant 0 : index
    %swap3A_26 = arith.constant 0 : index
    %swap3A_27 = vector.load %arg7[%swap3A, %swap3A_24, %swap3A_25, %swap3A_26] : memref<1x1x256x1xi32, #tpu.memory_space<vmem>>, vector<1x1x256x1xi32>
    %swap3A_28 = vector.shape_cast %swap3A_27 : vector<1x1x256x1xi32> to vector<256x1xi32>
    %swap3A_29 = vector.shape_cast %broadcast_in_dim3A_23 : vector<256x1xi32> to vector<1x1x256x1xi32>
    tpu.vector_store %arg7[%swap3A, %swap3A_24, %swap3A_25, %swap3A_26], %swap3A_29 {strides = array<i32>} : memref<1x1x256x1xi32, #tpu.memory_space<vmem>>, vector<1x1x256x1xi32>,
    %swap3A_30 = arith.constant 0 : index
    %swap3A_31 = arith.constant 0 : index
    %swap3A_32 = arith.constant 0 : index
    %swap3A_33 = arith.constant 0 : index
    %swap3A_34 = vector.load %arg8[%swap3A_30, %swap3A_31, %swap3A_32, %swap3A_33] : memref<1x1x256x1xf32, #tpu.memory_space<vmem>>, vector<1x1x256x1xf32>
    %swap3A_35 = vector.shape_cast %swap3A_34 : vector<1x1x256x1xf32> to vector<256x1xf32>
    %swap3A_36 = vector.shape_cast %broadcast_in_dim3A : vector<256x1xf32> to vector<1x1x256x1xf32>
    tpu.vector_store %arg8[%swap3A_30, %swap3A_31, %swap3A_32, %swap3A_33], %swap3A_36 {strides = array<i32>} : memref<1x1x256x1xf32, #tpu.memory_space<vmem>>, vector<1x1x256x1xf32>,
    %iota3A = tpu.iota {dimensions = array<i32: 1>} : vector<256x8192xi32>
    %eq3A = vector.broadcast %broadcast_in_dim3A_23 : vector<256x1xi32> to vector<256x8192xi32>
    %eq3A_37 = arith.cmpi eq, %iota3A, %eq3A : vector<256x8192xi32>
    %convert_element_type3A = arith.extui %eq3A_37 : vector<256x8192xi1> to vector<256x8192xi32>
    %convert_element_type3A_38 = arith.sitofp %convert_element_type3A : vector<256x8192xi32> to vector<256x8192xf32>
    %dot_general3A_39 = arith.constant dense<0.000000e+00> : vector<256x32xf32>
    %dot_general3A_40 = tpu.matmul %convert_element_type3A_38, %get3A_7, %dot_general3A_39 {dimension_numbers = #tpu.dot_dimension_numbers<[1], [0], [0], [1], [0, 0, 1, 1], [], []>, precision = #tpu.contract_precision<fp32>, transpose_lhs_hint = false} : vector<256x8192xf32>, vector<8192x32xf32>, vector<256x32xf32> -> vector<256x32xf32>
    %swap3A_41 = arith.constant 0 : index
    %swap3A_42 = arith.constant 0 : index
    %swap3A_43 = arith.constant 0 : index
    %swap3A_44 = vector.load %arg6[%swap3A_41, %swap3A_42, %swap3A_43] : memref<1x256x32xf32, #tpu.memory_space<vmem>>, vector<1x256x32xf32>
    %swap3A_45 = vector.shape_cast %swap3A_44 : vector<1x256x32xf32> to vector<256x32xf32>
    %swap3A_46 = vector.shape_cast %dot_general3A_40 : vector<256x32xf32> to vector<1x256x32xf32>
    tpu.vector_store %arg6[%swap3A_41, %swap3A_42, %swap3A_43], %swap3A_46 {strides = array<i32>} : memref<1x256x32xf32, #tpu.memory_space<vmem>>, vector<1x256x32xf32>,
    return
  }
  func.func @transform_0(%arg0: i32, %arg1: i32) -> (i32, i32, i32, i32) {
    %c0_i32 = arith.constant 0 : i32
    %c0_i32_0 = arith.constant 0 : i32
    %c0_i32_1 = arith.constant 0 : i32
    return %arg0, %c0_i32, %arg1, %c0_i32_0 : i32, i32, i32, i32
  }
  func.func @transform_1(%arg0: i32, %arg1: i32) -> (i32, i32) {
    %c0_i32 = arith.constant 0 : i32
    %c0_i32_0 = arith.constant 0 : i32
    %c0_i32_1 = arith.constant 0 : i32
    return %c0_i32, %c0_i32_0 : i32, i32
  }
  func.func @transform_2(%arg0: i32, %arg1: i32) -> (i32, i32, i32, i32) {
    %c0_i32 = arith.constant 0 : i32
    %c0_i32_0 = arith.constant 0 : i32
    %c0_i32_1 = arith.constant 0 : i32
    return %arg0, %arg1, %c0_i32, %c0_i32_0 : i32, i32, i32, i32
  }
  func.func @transform_3(%arg0: i32, %arg1: i32) -> (i32, i32) {
    %c0_i32 = arith.constant 0 : i32
    %c0_i32_0 = arith.constant 0 : i32
    %c0_i32_1 = arith.constant 0 : i32
    return %c0_i32, %c0_i32_0 : i32, i32
  }
  func.func @transform_4(%arg0: i32, %arg1: i32) -> (i32, i32, i32) {
    %mul3A = arith.constant 4 : i32
    %mul3A_0 = arith.muli %arg0, %mul3A : i32
    %add3A = arith.addi %mul3A_0, %arg1 : i32
    %c0_i32 = arith.constant 0 : i32
    %c0_i32_1 = arith.constant 0 : i32
    %c0_i32_2 = arith.constant 0 : i32
    return %add3A, %c0_i32, %c0_i32_1 : i32, i32, i32
  }
  func.func @transform_5(%arg0: i32, %arg1: i32) -> (i32, i32, i32, i32) {
    %c0_i32 = arith.constant 0 : i32
    %c0_i32_0 = arith.constant 0 : i32
    %c0_i32_1 = arith.constant 0 : i32
    return %arg0, %arg1, %c0_i32, %c0_i32_0 : i32, i32, i32, i32
  }
  func.func @transform_6(%arg0: i32, %arg1: i32) -> (i32, i32, i32, i32) {
    %c0_i32 = arith.constant 0 : i32
    %c0_i32_0 = arith.constant 0 : i32
    %c0_i32_1 = arith.constant 0 : i32
    return %arg0, %arg1, %c0_i32, %c0_i32_0 : i32, i32, i32, i32
  }
}

</mosaic_0001>

<sc_bundles>
// kernel: scatter_offload_async_start
scs
__scs_entry_jumppad:
0x0: {  	(pc) =	sbr.rel $0x88, $3  }
0x1: {  	(tag) =	ssettag $0x0;
	lr =	simm.s32 $0x1  }
0x2: {  	[smem:$0x3F9F] =	sst lr;
	_ =	strace $0xD0000000  }
0x3: {  	_ = 	snop  }
0x4: {  	_ = 	snop  }
0x5: {  	_ = 	snop  }
0x6: {  	_ = 	snop  }
0x7: {  	_ = 	snop  }
__scs_overlays_trampoline_lowered:
0x8: {  	[smem:$0x3FAE] =	sst s0  }
0x9: {  	[smem:$0x3FAF] =	sst s1  }
0xa: {  	[smem:$0x3FB0] =	sst s2  }
0xb: {  	[smem:$0x3FB1] =	sst s3  }
0xc: {  	[smem:$0x3FB2] =	sst s4  }
0xd: {  	[smem:$0x3FB3] =	sst s5  }
0xe: {  	[smem:$0x3FB4] =	sst s6  }
0xf: {  	[smem:$0x3FB5] =	sst s7  }
0x10: {  	[smem:$0x3FB6] =	sst s8  }
0x11: {  	[smem:$0x3FB7] =	sst s9;
	s0 =	simm.s32 @!p0 $0x0  }
0x12: {  	s1 =	sld [smem:$0x3F9D];
	s0 =	simm.s32 @p0 $0x1  }
0x13: {  	[smem:$0x3FB8] =	sst s0;
	s0 =	simm.s32 @!p1 $0x0  }
0x14: {  	s2 =	sld [smem:$0x3F9C];
	s0 =	simm.s32 @p1 $0x1  }
0x15: {  	[smem:$0x3FB9] =	sst s0;
	s0 =	simm.s32 @!p2 $0x0  }
0x16: {  	s3 =	sld [smem:$0x3FDB];
	s0 =	simm.s32 @p2 $0x1  }
0x17: {  	s4 =	simm.s32 $0x1BF5;
	[smem:$0x3FBB] =	sst s0  }
0x18: {  	s0 =	sld [smem:$0x3F9E];
	_ =	swait.ge [sflag:s4], $0x0  }
0x19: {  	s7 =	sld [smem:$0x3F9F]  }
0x1a: {  	s8 =	sadd.s32 $0xFFFFE003, lr  }
0x1b: {  	s9 =	sadd.s32 $0xFFFFFEF7, lr;
	s5 =	simm.s32 $0xFFFFFFFF;
	p2 =	slt.u32 s8, $0xFFFFF086  }
0x1c: {  	p1 =	slt.u32 s9, $0xF7A;
	s5 =	simm.s32 @!p2 $0x0  }
0x1d: {  	s5 =	simm.s32 @p1 $0x1;
	p0 =	seq.s32 s7, s2  }
0x1e: {  	s7 =	smul.u32 @!p0 $0xF7A, s2;
	p2 =	seq.s32 @!p0 s5, $0x0  }
0x1f: {  	s9 =	smul.u32 $0xF7A, s1;
	s8 =	simm.s32 @!p0 $0x1BF5;
	p2 =	por !p2, p0  }
0x20: {  	[sflag:s8] =	ssyncset.s32 @!p0 $0xFFFFF086;
	s6 =	sadd.s32 @!p0 s3, s7;
	s7 =	simm.s32 @!p0 $0x108  }
0x21: {  	s3 =	sadd.s32 s3, s9;
	s6 =	sadd.s32 @!p0 $0x88, s6;
	s7 =	simm.s32 @p2 $0x1082  }
0x22: {  	[simem:s7], [sflag:s8] =	dma.local @!p0 [hbm:s6], $0xF7A  }
0x23: {  	s9 =	sor.u32 $0xD0000000, s2;
	s6 =	simm.s32 $0x108;
	_ =	swait.ge @!p0 [sflag:s8], $0x0  }
0x24: {  	s3 =	sadd.s32 $0x88, s3;
	s6 =	simm.s32 @!p1 $0x1082;
	[sflag:s4] =	ssyncset.s32 $0xFFFFF086  }
0x25: {  	[simem:s6], [sflag:s4] =	dma.local [hbm:s3], $0xF7A  }
0x26: {  	[smem:$0x3F9F] =	sst s1;
	(tag) =	ssettag s2;
	_ =	strace s9  }
0x27: {  	s1 =	sld [smem:$0x3FAF]  }
0x28: {  	s2 =	sld [smem:$0x3FB0]  }
0x29: {  	s4 =	sld [smem:$0x3FB2]  }
0x2a: {  	p0 =	seq.s32 s5, $0x0;
	s5 =	sld [smem:$0x3FB3]  }
0x2b: {  	s6 =	sld [smem:$0x3FB4]  }
0x2c: {  	s7 =	sld [smem:$0x3FB5]  }
0x2d: {  	s3 =	simm.s32 $0x108;
	s8 =	sld [smem:$0x3FB6]  }
0x2e: {  	s3 =	simm.s32 @!p0 $0x1082;
	s9 =	sld [smem:$0x3FB7]  }
0x2f: {  	lr =	sadd.s32 s0, s3;
	s0 =	sld [smem:$0x3FAE]  }
0x30: {  	s3 =	sld [smem:$0x3FB1]  }
0x31: {  	[smem:$0x3FBA] =	sst s10  }
0x32: {  	s10 =	sld [smem:$0x3FB8];
	_ =	sdelay $0x3  }
0x33: {  	p0 =	seq.s32 s10, $0x1;
	s10 =	sld [smem:$0x3FBA];
	_ =	sdelay $0x3  }
0x34: {  	[smem:$0x3FBA] =	sst s10  }
0x35: {  	s10 =	sld [smem:$0x3FB9];
	_ =	sdelay $0x3  }
0x36: {  	p1 =	seq.s32 s10, $0x1;
	s10 =	sld [smem:$0x3FBA];
	_ =	sdelay $0x3  }
0x37: {  	[smem:$0x3FBA] =	sst s10  }
0x38: {  	s10 =	sld [smem:$0x3FBB]  }
0x39: {  	_ = 	snop;
	(pc) =	sbr.ind lr, $3  }
0x3a: {  	_ = 	snop  }
0x3b: {  	_ = 	snop  }
0x3c: {  	p2 =	seq.s32 s10, $0x1;
	s10 =	sld [smem:$0x3FBA]  }
0x3d: {  	_ =	shalt  }
0x3e: {  	_ =	shalt  }
0x3f: {  	_ =	shalt  }
0x40: {  	_ =	shalt  }
0x41: {  	_ =	shalt  }
0x42: {  	_ =	shalt  }
0x43: {  	_ =	shalt  }
0x44: {  	_ =	shalt  }
0x45: {  	_ =	shalt  }
0x46: {  	_ =	shalt  }
0x47: {  	_ =	shalt  }
0x48: {  	_ =	shalt  }
0x49: {  	_ =	shalt  }
0x4a: {  	_ =	shalt  }
0x4b: {  	_ =	shalt  }
0x4c: {  	_ =	shalt  }
0x4d: {  	_ =	shalt  }
0x4e: {  	_ =	shalt  }
0x4f: {  	_ =	shalt  }
0x50: {  	_ =	shalt  }
0x51: {  	_ =	shalt  }
0x52: {  	_ =	shalt  }
0x53: {  	_ =	shalt  }
0x54: {  	_ =	shalt  }
0x55: {  	_ =	shalt  }
0x56: {  	_ =	shalt  }
0x57: {  	_ =	shalt  }
0x58: {  	_ =	shalt  }
0x59: {  	_ =	shalt  }
0x5a: {  	_ =	shalt  }
0x5b: {  	_ =	shalt  }
0x5c: {  	_ =	shalt  }
0x5d: {  	_ =	shalt  }
0x5e: {  	_ =	shalt  }
0x5f: {  	_ =	shalt  }
0x60: {  	_ =	shalt  }
0x61: {  	_ =	shalt  }
0x62: {  	_ =	shalt  }
0x63: {  	_ =	shalt  }
0x64: {  	_ =	shalt  }
0x65: {  	_ =	shalt  }
0x66: {  	_ =	shalt  }
0x67: {  	_ =	shalt  }
0x68: {  	_ =	shalt  }
0x69: {  	_ =	shalt  }
0x6a: {  	_ =	shalt  }
0x6b: {  	_ =	shalt  }
0x6c: {  	_ =	shalt  }
0x6d: {  	_ =	shalt  }
0x6e: {  	_ =	shalt  }
0x6f: {  	_ =	shalt  }
0x70: {  	_ =	shalt  }
0x71: {  	_ =	shalt  }
0x72: {  	_ =	shalt  }
0x73: {  	_ =	shalt  }
0x74: {  	_ =	shalt  }
0x75: {  	_ =	shalt  }
0x76: {  	_ =	shalt  }
0x77: {  	_ =	shalt  }
0x78: {  	_ =	shalt  }
0x79: {  	_ =	shalt  }
0x7a: {  	_ =	shalt  }
0x7b: {  	_ =	shalt  }
0x7c: {  	_ =	shalt  }
0x7d: {  	_ =	shalt  }
0x7e: {  	_ =	shalt  }
0x7f: {  	_ =	shalt  }
0x80: {  	_ =	shalt  }
0x81: {  	_ =	shalt  }
0x82: {  	_ =	shalt  }
0x83: {  	_ =	shalt  }
0x84: {  	_ =	shalt  }
0x85: {  	_ =	shalt  }
0x86: {  	_ =	shalt  }
0x87: {  	_ =	shalt  }
.Lfunc_end0:
.L_simem_size_0:
called_computation_lowered:
.L_overlay_start_0:
0x88: {  	s0 =	sld [smem:$0x3FD9]  }
0x89: {  	s1 =	sld [smem:$0x3FFE];
	_ =	sdelay $0x3  }
0x8a: {  	s0 =	sadd.s32 s1, s0  }
0x8b: {  	[smem:$0x3FC6] =	sst s0  }
0x8c: {  	_ = 	snop  }
0x8d: {  	(tm) =	ssettm $0x1  }
0x8e: {  	s15 =	sld [smem:$0x3FFB];
	_ =	sdelay $0x3  }
0x8f: {  	_ =	strace s15  }
0x90: {  	s0 =	sld [smem:$0x3FFC];
	_ =	sdelay $0x3  }
0x91: {  	_ =	strace s0  }
0x92: {  	s0 =	sld [smem:$0x3FFD];
	_ =	sdelay $0x3  }
0x93: {  	_ =	strace s0  }
0x94: {  	_ =	strace $0x8FFFFFFF  }
0x95: {  	s16 =	sld [smem:$0x3FDB];
	_ =	sdelay $0x1  }
0x96: {  	s17 =	simm.s32 $_scs_section_size  }
0x97: {  	s2 =	simm.s32 $_size__tile_overlayer_lowered;
	s3 =	simm.s32 $_tile_overlayer_lowered  }
0x98: {  	s20 =	simm.s32 $0x1BFF;
	s19 =	sshll.u32 s3, $0x1;
	s0 =	sadd.s32 s17, s16  }
0x99: {  	s4 =	simm.s32 $0x0;
	s18 =	sshll.u32 s2, $0x1;
	s2 =	sadd.s32 s19, s0  }
0x9a: {  	[timem:s4], [sflag:s20] =	dma.local [hbm:s2], s18  }
0x9b: {  	_ =	swait.ge [sflag:s20], s18  }
0x9c: {  	s1 =	ssub.s32 $0x0, s18;
	[sflag:s20] =	ssyncset.done $0x0  }
0x9d: {  	[sflag:s20] =	ssyncadd.s32 s1;
	_ =	sdelay $0x1  }
0x9e: {  	s21 =	simm.s32 $0x1B8B  }
0x9f: {  	_ =	swait.ge [sflag:s21], $0x1  }
0xa0: {  	[sflag:s21] =	ssyncset.done $0x0  }
0xa1: {  	s23 =	simm.s32 $0x1B8E;
	s22 =	sld [smem:$0x3FFE];
	[sflag:s21] =	ssyncadd.s32 $0xFFFFFFFF  }
0xa2: {  	s24 =	simm.s32 $execute0_lowered;
	[smem:$0x3FD2] =	sst s23  }
0xa3: {  	s2 =	sshll.u32 s24, $0x1;
	_ =	strace $0x80000046;
	[dreg:$0x1] =	wrdreg $0xFFFFFFFF  }
0xa4: {  	s25 =	simm.s32 $_size_execute0_lowered;
	s0 =	sadd.s32 s0, s2;
	[dreg:$0x0] =	wrdreg $0x0  }
0xa5: {  	s2 =	sshll.u32 s25, $0x1;
	[dreg:$0x2] =	wrdreg s0  }
0xa6: {  	[dreg:$0x3] =	wrdreg s2  }
0xa7: {  	[dreg:$0x4] =	wrdreg $0xC0  }
0xa8: {  	_ =	task [dreg:s4], $0x5FFFF  }
0xa9: {  	[dreg:$0x1] =	wrdreg $0xFFFFFFFF  }
0xaa: {  	[dreg:$0x0] =	wrdreg $0x60  }
0xab: {  	[dreg:$0x2] =	wrdreg s22  }
0xac: {  	[dreg:$0x3] =	wrdreg $0x9  }
0xad: {  	_ =	task.clear_ibuf [dreg:s4], $0x4FFFF;
	_ =	strace $0x90000046  }
0xae: {  	s26 =	simm.s32 $0x9;
	_ =	strace $0x80000048  }
0xaf: {  	_ =	swait.ge [sflag:s26], $0x1  }
0xb0: {  	[sflag:s26] =	ssyncadd.s32 $0xFFFFFFFF  }
0xb1: {  	_ =	strace $0x90000048  }
0xb2: {  	_ =	sfence  }
0xb3: {  	s28 =	sld [smem:$0x0];
	_ =	sdelay $0x1  }
0xb4: {  	s29 =	srdreg.scid  }
0xb5: {  	s30 =	sshll.u32 s29, $0xD;
	s31 =	sshrl.u32 s29, $0x2  }
0xb6: {  	s1 =	sand.u32 $0x1, s29;
	s2 =	sand.u32 $0x4000, s30;
	s0 =	sadd.s32 s31, s28  }
0xb7: {  	s1 =	sor.u32 s2, s1;
	s0 =	sshll.u32 s0, $0x11  }
0xb8: {  	s0 =	sor.u32 s0, s1  }
0xb9: {  	s0 =	sadd.s32 $0x8F2B, s0  }
0xba: {  	[sflag:s0] =	ssyncadd.remote.s32 $0x1  }
0xbb: {  	_ =	sfence.sel $0xFFFF  }
0xbc: {  	[dreg:$0x0] =	wrdreg $0xFFFFFFFF;
	(pc) =	sbr.abs _section_cstart, $3  }
0xbd: {  	[dreg:$0x1] =	wrdreg $0xFFFFFFFF  }
0xbe: {  	_ =	task.clear_ibuf [dreg:s4], $0x2FFFF;
	_ =	strace $0x9FFFFFFF  }
0xbf: {  	(tm) =	ssettm $0x7FFFFFFF  }
tec
execute0_lowered:
.L_overlay_start_1:
0x0: {  	(tag) =	ssettag $0x1  }
0x1: {  	s3 =	rddreg [dreg:$0x0]  }
0x2: {  	s0 =	rddreg [dreg:$0x1];
	_ =	strace $0x80000047;
	s2 =	stileid.u32  }
0x3: {  	s4 =	simm.s32 $0x3E;
	s1 =	sadd.s32 $0x800, s3;
	p0 =	sne.s32 s2, $0x0  }
0x4: {  	[sflag:s4] =	ssyncpa.u1 $0x0;
	s5 =	simm.s32 @!p0 $0x1C3E;
	s6 =	simm.s32 @!p0 $0x0  }
0x5: {  	[spmem:s6], [sflag:s5] =	dma.local @!p0 [hbm:s1], $0x400  }
0x6: {  	s5 =	simm.s32 @!p0 $0x3E  }
0x7: {  	_ =	swait.ge @!p0 [sflag:s5], $0x400  }
0x8: {  	[sflag:s5] =	ssyncset.done @!p0 $0x0  }
0x9: {  	[sflag:s5] =	ssyncadd.s32 @!p0 $0xFFFFFC00  }
0xa: {  	s26 =	simm.s32 $0x1;
	s28 =	simm.s32 $0x2;
	[bflag:$0x0] =	sbarrier.arrive $0xFFFF  }
0xb: {  	s7 =	simm.s32 $0x600;
	s29 =	sadd.s32 $0x40000, s3;
	[sflag:s4] =	ssyncpa.u1 $0x1  }
0xc: {  	s30 =	sshll.u32 s2, $0x7;
	s2 =	simm.s32 $0x0;
	[sflag:s26] =	ssyncpa.u1 $0x0  }
0xd: {  	s5 =	sadd.s32 s29, s30;
	(ifvalue) =	ssetifvalue $0x2000;
	[sflag:s28] =	ssyncpa.u1 $0x0  }
0xe: {  	[tilespmem:s7], [sflag:$0x2] =	stream.linear.gather [hbm4b:s5+s2], $0x400, $0x38;
	[tilespmem:$0x1200] =	vst v63  }
0xf: {  	s31 =	sadd.s32 s3, s30;
	s3 =	simm.s32 $0xE00  }
0x10: {  	[tilespmem:s3], [sflag:$0x2] =	stream.linear.gather [hbm4b:s31+s2], $0x400, $0x38;
	[tilespmem:$0x1200] =	vst v63  }
0x11: {  	_ =	swait.ge [sflag:s28], $0x800  }
0x12: {  	[sflag:s28] =	ssyncset.done $0x0  }
0x13: {  	[sflag:s28] =	ssyncadd.s32 $0xFFFFF800  }
0x14: {  	v0 =	vld.msk [tilespmem:s7+$0x0 ss:$0x1], $0xffff;
	_ =	sdelay $0x4  }
0x15: {  	v0 =	vmin.u32 v0, $0x2000;
	_ =	sdelay $0x3  }
0x16: {  	vm0 =	vmmov $0xffff;
	s4 =	simm.s32 $0x0;
	s5 =	simm.s32 $0x610  }
0x17: {  	[spmem:s2] =	stream.indirect_vreg.scatter.add.s32 [tilespmem:s3], [sflag:$0x1], $0x1, v0, vm0, $0x4038;
	[tilespmem:$0x1200] =	vst v63  }
.LBB2_1:
0x18: {  	v0 =	vld.msk [tilespmem:s5+$0x0 ss:$0x1], $0xffff;
	s4 =	sadd.s32 $0x10, s4  }
0x19: {  	p1 =	slt.u32 s4, $0x3F0;
	_ =	sdelay $0x4  }
0x1a: {  	v0 =	vmin.u32 v0, $0x2000  }
.Ltmp0:
0x1b: {  	(pc) =	sbr.rel @p1 .LBB2_1-.Ltmp0, $3  }
0x1c: {  	_ =	sdelay $0x1  }
0x1d: {  	s5 =	sadd.s32 $0x10, s5;
	s3 =	sadd.s32 $0x10, s3  }
0x1e: {  	[spmem:s2] =	stream.indirect_vreg.scatter.add.s32 [tilespmem:s3], [sflag:$0x1], $0x1, v0, vm0, $0x4038;
	[tilespmem:$0x1200] =	vst v63  }
0x1f: {  	s2 =	simm.s32 $0x1  }
0x20: {  	_ =	swait.ge [sflag:s2], $0x400  }
0x21: {  	[sflag:s2] =	ssyncset.done $0x0  }
0x22: {  	[sflag:s2] =	ssyncadd.s32 $0xFFFFFC00  }
0x23: {  	_ =	sfence.sel $0x180000  }
0x24: {  	s3 =	simm.s32 $0x2;
	[bflag:$0x0] =	sbarrier.arrive $0xFFFF  }
0x25: {  	[sflag:s3] =	ssyncpa.u1 $0x1  }
0x26: {  	[sflag:s2] =	ssyncpa.u1 $0x1  }
0x27: {  	_ =	sfence.stream.spmem  }
0x28: {  	s31 =	simm.s32 $0x3D;
	[bflag:$0x0] =	sbarrier.arrive $0xFFFF  }
0x29: {  	s2 =	simm.s32 @p0 $0x3D;
	[sflag:s31] =	ssyncpa.u1 $0x0  }
0x2a: {  	[sflag:s2] =	ssyncpa.u1 @p0 $0x1  }
0x2b: {  	[bflag:$0x0] =	sbarrier.arrive @p0 $0xFFFF  }
0x2c: {  	_ =	strace @p0 $0x90000047  }
0x2d: {  	s3 =	simm.s32 @!p0 $0x1C3D;
	s2 =	simm.s32 @!p0 $0x0;
	[bflag:$0x2] =	sbarrier.arrive @p0 $0xFFFF  }
0x2e: {  	[hbm:s1], [sflag:s3] =	dma.local @!p0 [spmem:s2], $0x400  }
0x2f: {  	s1 =	simm.s32 @!p0 $0x3D  }
0x30: {  	_ =	swait.ge @!p0 [sflag:s1], $0x400  }
0x31: {  	[sflag:s1] =	ssyncset.done @!p0 $0x0  }
0x32: {  	[sflag:s1] =	ssyncadd.s32 @!p0 $0xFFFFFC00  }
0x33: {  	[sflag:s1] =	ssyncpa.u1 @!p0 $0x1  }
0x34: {  	[bflag:$0x0] =	sbarrier.arrive @!p0 $0xFFFF  }
0x35: {  	_ =	strace @!p0 $0x90000047  }
0x36: {  	s0 =	sadd.s32 @!p0 $0x100000, s0;
	[bflag:$0x2] =	sbarrier.arrive @!p0 $0xFFFF  }
0x37: {  	[sflag:s0] =	ssyncadd.tile.s32 @!p0 $0x1;
	_ =	shalt  }
.Lfunc_end2:
_tile_overlayer_lowered:
.L_overlay_start_2:
0x38: {  	(tag) =	ssettag $0x2  }
0x39: {  	s0 =	rddreg [dreg:$0x0];
	s2 =	stileid.u32  }
0x3a: {  	s1 =	rddreg [dreg:$0x1];
	p0 =	sne.s32 s2, $0x0  }
0x3b: {  	s3 =	rddreg [dreg:$0x2];
	[bflag:$0x3] =	sbarrier.arrive $0xFFFF;
	s2 =	simm.s32 @!p0 $0x1C01  }
0x3c: {  	[timem:s3], [sflag:s2] =	dma.local @!p0 [hbm:s0], s1  }
0x3d: {  	s0 =	simm.s32 @!p0 $0x1  }
0x3e: {  	_ =	swait.ge @!p0 [sflag:s0], s1  }
0x3f: {  	s1 =	ssub.s32 @!p0 $0x0, s1;
	[sflag:s0] =	ssyncset.done @!p0 $0x0  }
0x40: {  	[sflag:s0] =	ssyncadd.s32 @!p0 s1  }
0x41: {  	[bflag:$0x3] =	sbarrier.arrive $0xFFFF  }
0x42: {  	_ =	shalt  }

</sc_bundles>
